<compile_context>
chip_gen: v7x
topology: tpu7x:2x2x1
jax: 0.10.2.dev20260603
libtpu: 0.0.44.dev20260713+nightly
codegen_flags: <defaults>
</compile_context>

<pallas_src>
import functools

import jax
import jax.numpy as jnp
from jax import lax
from jax.experimental import pallas as pl
from jax.experimental.pallas import tpu as pltpu
from jax.experimental.pallas import tpu_sc as plsc

_CHUNK = 200


def kernel(emb_h, h, e, conv_w, conv_b, w2, b2, edge_index):
    E, H = e.shape
    info = plsc.get_sparse_core_info()
    nc, ns = info.num_cores, info.num_subcores
    nw = nc * ns
    rows_pw = E // nw
    n = rows_pw // _CHUNK

    mesh = plsc.VectorSubcoreMesh(core_axis_name="c", subcore_axis_name="s")

    @functools.partial(
        pl.kernel,
        out_type=jax.ShapeDtypeStruct((E, H), e.dtype),
        mesh=mesh,
        scratch_types=(
            [pltpu.VMEM((_CHUNK, H), e.dtype)] * 2
            + [pltpu.SemaphoreType.DMA] * 4
        ),
    )
    def sc_copy(e_hbm, out_hbm, b0, b1, si0, si1, so0, so1):
        bufs = (b0, b1)
        sin = (si0, si1)
        sout = (so0, so1)
        wid = lax.axis_index("s") * nc + lax.axis_index("c")
        base = wid * rows_pw
        C = _CHUNK

        def rd(m):
            return pltpu.async_copy(
                e_hbm.at[pl.ds(base + m * C, C)], bufs[m % 2], sin[m % 2])

        def wr(m):
            return pltpu.async_copy(
                bufs[m % 2], out_hbm.at[pl.ds(base + m * C, C)], sout[m % 2])

        def wait_rd(m, moff):
            pltpu.make_async_copy(
                e_hbm.at[pl.ds(base + moff * C, C)],
                bufs[m % 2], sin[m % 2]).wait()

        def wait_wr(m, moff):
            pltpu.make_async_copy(
                bufs[m % 2],
                out_hbm.at[pl.ds(base + moff * C, C)], sout[m % 2]).wait()

        rd(0)
        rd(1)
        wait_rd(0, 0)
        wr(0)

        @pl.loop(1, n - 1, step=2)
        def _body(j):
            for k in range(2):
                moff = j + k
                m = 1 - k
                wait_wr(m + 1, moff - 1)
                rd_m = moff + 1
                pltpu.async_copy(
                    e_hbm.at[pl.ds(base + rd_m * C, C)],
                    bufs[(m + 1) % 2], sin[(m + 1) % 2])
                wait_rd(m, moff)
                pltpu.async_copy(
                    bufs[m % 2],
                    out_hbm.at[pl.ds(base + moff * C, C)], sout[m % 2])

        wait_wr(0, n - 2)
        wait_rd(1, n - 1)
        wr(n - 1)
        wait_wr(1, n - 1)

    return sc_copy(e)

# --- scband reference (transcript-rebuilt; emitter-appended) ---
"""Pipeline reference for scband-merg-22204980920684 (READ-ONLY COPY).

The authoritative reference and input builder live on the scoring server;
editing this copy changes nothing except your own understanding.
"""

import jax, jax.numpy as jnp
import numpy as np

N = 10000
E = 320000
D = 128   # in_dim
H = 128   # hidden_dim


def setup_inputs(seed: int = 0) -> dict:
    key = jax.random.key(seed)
    ks = jax.random.split(key, 8)
    emb_h = jax.random.normal(ks[0], (N, D), dtype=jnp.float32)
    h = jax.random.normal(ks[1], (N, D), dtype=jnp.float32)
    e = jax.random.normal(ks[2], (E, H), dtype=jnp.float32)
    edge_index = jax.random.randint(ks[3], (2, E), 0, N, dtype=jnp.int32)
    # edge_proj: Conv1d(in_channels=2, out_channels=1, kernel_size=3, padding=1)
    conv_w = jax.random.normal(ks[4], (1, 2, 3), dtype=jnp.float32) * 0.1
    conv_b = jnp.zeros((1,), dtype=jnp.float32)
    # edge_proj2: Linear(in_dim -> hidden_dim)
    w2 = jax.random.normal(ks[5], (H, D), dtype=jnp.float32) * 0.05
    b2 = jnp.zeros((H,), dtype=jnp.float32)
    return {"emb_h": emb_h, "h": h, "e": e, "conv_w": conv_w,
            "conv_b": conv_b, "w2": w2, "b2": b2, "edge_index": edge_index}


def reference(emb_h, h, e, conv_w, conv_b, w2, b2, edge_index):
    # g.apply_edges -> gather src/dst node embeddings per edge
    src = jnp.take(emb_h, edge_index[0], axis=0)   # [E, D]
    dst = jnp.take(emb_h, edge_index[1], axis=0)   # [E, D]
    edge = jnp.stack([src, dst], axis=1)           # [E, 2, D] (unsqueeze+cat)
    # Conv1d(2 -> 1, kernel=3, padding=1) over the feature axis
    padded = jnp.pad(edge, ((0, 0), (0, 0), (1, 1)))
    acc = jnp.zeros((edge.shape[0], D), dtype=edge.dtype)
    for c in range(2):
        for k in range(3):
            acc = acc + conv_w[0, c, k] * padded[:, c, k:k + D]
    lr_e_local = acc + conv_b[0]                   # [E, D] (squeeze(1))
    lr_e_local = lr_e_local @ w2.T + b2            # edge_proj2 -> [E, H]
    # NOTE: in the original module the remaining logic is commented out and
    # lr_e_local is discarded; forward returns e unchanged.
    _ = lr_e_local
    return e

if __name__ == "__main__":
    import jax
    _d = setup_inputs()
    print(jax.jit(kernel)(*tuple(_d.values())))

</pallas_src>

<mosaic_0001>
#map = affine_map<(d0, d1) -> (0, 0)>
module attributes {stable_mosaic.version = 14 : i64} {
  func.func @sc_copy(%arg0: i32, %arg1: i32, %arg2: memref<320000x128xf32, #tpu.memory_space<hbm>>, %arg3: memref<320000x128xf32, #tpu.memory_space<hbm>>, %arg4: memref<200x128xf32, #tpu.memory_space<vmem>>, %arg5: memref<200x128xf32, #tpu.memory_space<vmem>>, %arg6: memref<!tpu.dma_semaphore, #tpu.memory_space<semaphore_mem>>, %arg7: memref<!tpu.dma_semaphore, #tpu.memory_space<semaphore_mem>>, %arg8: memref<!tpu.dma_semaphore, #tpu.memory_space<semaphore_mem>>, %arg9: memref<!tpu.dma_semaphore, #tpu.memory_space<semaphore_mem>>) attributes {dimension_semantics = [#tpu.dimension_semantics<core_parallel>, #tpu.dimension_semantics<subcore_parallel>], iteration_bounds = array<i64: 2, 16>, scalar_prefetch = 0 : i64, scratch_operands = 6 : i64, tpu.core_type = #tpu.core_type<sc_vector_subcore>, window_params = [{transform_indices = #map}, {transform_indices = #map}]} {
    %mul3A = arith.constant 2 : i32
    %mul3A_0 = arith.muli %arg1, %mul3A : i32
    %add3A = arith.addi %mul3A_0, %arg0 : i32
    %mul3A_1 = arith.constant 10000 : i32
    %mul3A_2 = arith.muli %add3A, %mul3A_1 : i32
    %add3A_3 = arith.constant 0 : i32
    %add3A_4 = arith.addi %mul3A_2, %add3A_3 : i32
    %dma_start3A = arith.constant 0 : i32
    %dma_start3A_5 = tpu.memref_slice %arg2[%add3A_4, %dma_start3A] : memref<320000x128xf32, #tpu.memory_space<hbm>> -> memref<200x128xf32, #tpu.memory_space<hbm>>
    %dma_start3A_6 = arith.constant 0 : i32
    %dma_start3A_7 = tpu.memref_slice %arg2[%add3A_4, %dma_start3A_6] : memref<320000x128xf32, #tpu.memory_space<hbm>> -> memref<200x128xf32, #tpu.memory_space<hbm>>
    tpu.enqueue_dma source(%dma_start3A_7 : memref<200x128xf32, #tpu.memory_space<hbm>>) target(%arg4 : memref<200x128xf32, #tpu.memory_space<vmem>>) target_semaphore(%arg6 : memref<!tpu.dma_semaphore, #tpu.memory_space<semaphore_mem>>)
    %add3A_8 = arith.constant 200 : i32
    %add3A_9 = arith.addi %mul3A_2, %add3A_8 : i32
    %dma_start3A_10 = arith.constant 0 : i32
    %dma_start3A_11 = tpu.memref_slice %arg2[%add3A_9, %dma_start3A_10] : memref<320000x128xf32, #tpu.memory_space<hbm>> -> memref<200x128xf32, #tpu.memory_space<hbm>>
    %dma_start3A_12 = arith.constant 0 : i32
    %dma_start3A_13 = tpu.memref_slice %arg2[%add3A_9, %dma_start3A_12] : memref<320000x128xf32, #tpu.memory_space<hbm>> -> memref<200x128xf32, #tpu.memory_space<hbm>>
    tpu.enqueue_dma source(%dma_start3A_13 : memref<200x128xf32, #tpu.memory_space<hbm>>) target(%arg5 : memref<200x128xf32, #tpu.memory_space<vmem>>) target_semaphore(%arg7 : memref<!tpu.dma_semaphore, #tpu.memory_space<semaphore_mem>>)
    %add3A_14 = arith.constant 0 : i32
    %add3A_15 = arith.addi %mul3A_2, %add3A_14 : i32
    %dma_wait3A = arith.constant 0 : i32
    %dma_wait3A_16 = tpu.memref_slice %arg2[%add3A_15, %dma_wait3A] : memref<320000x128xf32, #tpu.memory_space<hbm>> -> memref<200x128xf32, #tpu.memory_space<hbm>>
    %dma_wait3A_17 = arith.constant 0 : i32
    %dma_wait3A_18 = tpu.memref_slice %arg2[%add3A_15, %dma_wait3A_17] : memref<320000x128xf32, #tpu.memory_space<hbm>> -> memref<200x128xf32, #tpu.memory_space<hbm>>
    tpu.wait_dma2 semaphore(%arg6 : memref<!tpu.dma_semaphore, #tpu.memory_space<semaphore_mem>>) src(%dma_wait3A_18 : memref<200x128xf32, #tpu.memory_space<hbm>>) dst(%arg4 : memref<200x128xf32, #tpu.memory_space<vmem>>)
    %add3A_19 = arith.constant 0 : i32
    %add3A_20 = arith.addi %mul3A_2, %add3A_19 : i32
    %dma_start3A_21 = arith.constant 0 : i32
    %dma_start3A_22 = tpu.memref_slice %arg3[%add3A_20, %dma_start3A_21] : memref<320000x128xf32, #tpu.memory_space<hbm>> -> memref<200x128xf32, #tpu.memory_space<hbm>>
    %dma_start3A_23 = arith.constant 0 : i32
    %dma_start3A_24 = tpu.memref_slice %arg3[%add3A_20, %dma_start3A_23] : memref<320000x128xf32, #tpu.memory_space<hbm>> -> memref<200x128xf32, #tpu.memory_space<hbm>>
    tpu.enqueue_dma source(%arg4 : memref<200x128xf32, #tpu.memory_space<vmem>>) target(%dma_start3A_24 : memref<200x128xf32, #tpu.memory_space<hbm>>) target_semaphore(%arg8 : memref<!tpu.dma_semaphore, #tpu.memory_space<semaphore_mem>>)
    %scan3A = arith.constant 0 : i32
    %scan3A_25 = arith.constant 24 : i32
    %scan3A_26 = arith.addi %scan3A, %scan3A_25 : i32
    %scan3A_27 = arith.constant 1 : i32
    scf.for %scan3A_53 = %scan3A to %scan3A_26 step %scan3A_27  : i32 {
      %mul3A_54 = arith.constant 2 : i32
      %mul3A_55 = arith.muli %scan3A_53, %mul3A_54 : i32
      %add3A_56 = arith.constant 1 : i32
      %add3A_57 = arith.addi %add3A_56, %mul3A_55 : i32
      %add3A_58 = arith.constant 0 : i32
      %add3A_59 = arith.addi %add3A_57, %add3A_58 : i32
      %sub3A = arith.constant 1 : i32
      %sub3A_60 = arith.subi %add3A_59, %sub3A : i32
      %mul3A_61 = arith.constant 200 : i32
      %mul3A_62 = arith.muli %sub3A_60, %mul3A_61 : i32
      %add3A_63 = arith.addi %mul3A_2, %mul3A_62 : i32
      %dma_wait3A_64 = arith.constant 0 : i32
      %dma_wait3A_65 = tpu.memref_slice %arg3[%add3A_63, %dma_wait3A_64] : memref<320000x128xf32, #tpu.memory_space<hbm>> -> memref<200x128xf32, #tpu.memory_space<hbm>>
      %dma_wait3A_66 = arith.constant 0 : i32
      %dma_wait3A_67 = tpu.memref_slice %arg3[%add3A_63, %dma_wait3A_66] : memref<320000x128xf32, #tpu.memory_space<hbm>> -> memref<200x128xf32, #tpu.memory_space<hbm>>
      tpu.wait_dma2 semaphore(%arg8 : memref<!tpu.dma_semaphore, #tpu.memory_space<semaphore_mem>>) src(%arg4 : memref<200x128xf32, #tpu.memory_space<vmem>>) dst(%dma_wait3A_67 : memref<200x128xf32, #tpu.memory_space<hbm>>)
      %add3A_68 = arith.constant 1 : i32
      %add3A_69 = arith.addi %add3A_59, %add3A_68 : i32
      %mul3A_70 = arith.constant 200 : i32
      %mul3A_71 = arith.muli %add3A_69, %mul3A_70 : i32
      %add3A_72 = arith.addi %mul3A_2, %mul3A_71 : i32
      %dma_start3A_73 = arith.constant 0 : i32
      %dma_start3A_74 = tpu.memref_slice %arg2[%add3A_72, %dma_start3A_73] : memref<320000x128xf32, #tpu.memory_space<hbm>> -> memref<200x128xf32, #tpu.memory_space<hbm>>
      %dma_start3A_75 = arith.constant 0 : i32
      %dma_start3A_76 = tpu.memref_slice %arg2[%add3A_72, %dma_start3A_75] : memref<320000x128xf32, #tpu.memory_space<hbm>> -> memref<200x128xf32, #tpu.memory_space<hbm>>
      tpu.enqueue_dma source(%dma_start3A_76 : memref<200x128xf32, #tpu.memory_space<hbm>>) target(%arg4 : memref<200x128xf32, #tpu.memory_space<vmem>>) target_semaphore(%arg6 : memref<!tpu.dma_semaphore, #tpu.memory_space<semaphore_mem>>)
      %mul3A_77 = arith.constant 200 : i32
      %mul3A_78 = arith.muli %add3A_59, %mul3A_77 : i32
      %add3A_79 = arith.addi %mul3A_2, %mul3A_78 : i32
      %dma_wait3A_80 = arith.constant 0 : i32
      %dma_wait3A_81 = tpu.memref_slice %arg2[%add3A_79, %dma_wait3A_80] : memref<320000x128xf32, #tpu.memory_space<hbm>> -> memref<200x128xf32, #tpu.memory_space<hbm>>
      %dma_wait3A_82 = arith.constant 0 : i32
      %dma_wait3A_83 = tpu.memref_slice %arg2[%add3A_79, %dma_wait3A_82] : memref<320000x128xf32, #tpu.memory_space<hbm>> -> memref<200x128xf32, #tpu.memory_space<hbm>>
      tpu.wait_dma2 semaphore(%arg7 : memref<!tpu.dma_semaphore, #tpu.memory_space<semaphore_mem>>) src(%dma_wait3A_83 : memref<200x128xf32, #tpu.memory_space<hbm>>) dst(%arg5 : memref<200x128xf32, #tpu.memory_space<vmem>>)
      %mul3A_84 = arith.constant 200 : i32
      %mul3A_85 = arith.muli %add3A_59, %mul3A_84 : i32
      %add3A_86 = arith.addi %mul3A_2, %mul3A_85 : i32
      %dma_start3A_87 = arith.constant 0 : i32
      %dma_start3A_88 = tpu.memref_slice %arg3[%add3A_86, %dma_start3A_87] : memref<320000x128xf32, #tpu.memory_space<hbm>> -> memref<200x128xf32, #tpu.memory_space<hbm>>
      %dma_start3A_89 = arith.constant 0 : i32
      %dma_start3A_90 = tpu.memref_slice %arg3[%add3A_86, %dma_start3A_89] : memref<320000x128xf32, #tpu.memory_space<hbm>> -> memref<200x128xf32, #tpu.memory_space<hbm>>
      tpu.enqueue_dma source(%arg5 : memref<200x128xf32, #tpu.memory_space<vmem>>) target(%dma_start3A_90 : memref<200x128xf32, #tpu.memory_space<hbm>>) target_semaphore(%arg9 : memref<!tpu.dma_semaphore, #tpu.memory_space<semaphore_mem>>)
      %add3A_91 = arith.constant 1 : i32
      %add3A_92 = arith.addi %add3A_57, %add3A_91 : i32
      %sub3A_93 = arith.constant 1 : i32
      %sub3A_94 = arith.subi %add3A_92, %sub3A_93 : i32
      %mul3A_95 = arith.constant 200 : i32
      %mul3A_96 = arith.muli %sub3A_94, %mul3A_95 : i32
      %add3A_97 = arith.addi %mul3A_2, %mul3A_96 : i32
      %dma_wait3A_98 = arith.constant 0 : i32
      %dma_wait3A_99 = tpu.memref_slice %arg3[%add3A_97, %dma_wait3A_98] : memref<320000x128xf32, #tpu.memory_space<hbm>> -> memref<200x128xf32, #tpu.memory_space<hbm>>
      %dma_wait3A_100 = arith.constant 0 : i32
      %dma_wait3A_101 = tpu.memref_slice %arg3[%add3A_97, %dma_wait3A_100] : memref<320000x128xf32, #tpu.memory_space<hbm>> -> memref<200x128xf32, #tpu.memory_space<hbm>>
      tpu.wait_dma2 semaphore(%arg9 : memref<!tpu.dma_semaphore, #tpu.memory_space<semaphore_mem>>) src(%arg5 : memref<200x128xf32, #tpu.memory_space<vmem>>) dst(%dma_wait3A_101 : memref<200x128xf32, #tpu.memory_space<hbm>>)
      %add3A_102 = arith.constant 1 : i32
      %add3A_103 = arith.addi %add3A_92, %add3A_102 : i32
      %mul3A_104 = arith.constant 200 : i32
      %mul3A_105 = arith.muli %add3A_103, %mul3A_104 : i32
      %add3A_106 = arith.addi %mul3A_2, %mul3A_105 : i32
      %dma_start3A_107 = arith.constant 0 : i32
      %dma_start3A_108 = tpu.memref_slice %arg2[%add3A_106, %dma_start3A_107] : memref<320000x128xf32, #tpu.memory_space<hbm>> -> memref<200x128xf32, #tpu.memory_space<hbm>>
      %dma_start3A_109 = arith.constant 0 : i32
      %dma_start3A_110 = tpu.memref_slice %arg2[%add3A_106, %dma_start3A_109] : memref<320000x128xf32, #tpu.memory_space<hbm>> -> memref<200x128xf32, #tpu.memory_space<hbm>>
      tpu.enqueue_dma source(%dma_start3A_110 : memref<200x128xf32, #tpu.memory_space<hbm>>) target(%arg5 : memref<200x128xf32, #tpu.memory_space<vmem>>) target_semaphore(%arg7 : memref<!tpu.dma_semaphore, #tpu.memory_space<semaphore_mem>>)
      %mul3A_111 = arith.constant 200 : i32
      %mul3A_112 = arith.muli %add3A_92, %mul3A_111 : i32
      %add3A_113 = arith.addi %mul3A_2, %mul3A_112 : i32
      %dma_wait3A_114 = arith.constant 0 : i32
      %dma_wait3A_115 = tpu.memref_slice %arg2[%add3A_113, %dma_wait3A_114] : memref<320000x128xf32, #tpu.memory_space<hbm>> -> memref<200x128xf32, #tpu.memory_space<hbm>>
      %dma_wait3A_116 = arith.constant 0 : i32
      %dma_wait3A_117 = tpu.memref_slice %arg2[%add3A_113, %dma_wait3A_116] : memref<320000x128xf32, #tpu.memory_space<hbm>> -> memref<200x128xf32, #tpu.memory_space<hbm>>
      tpu.wait_dma2 semaphore(%arg6 : memref<!tpu.dma_semaphore, #tpu.memory_space<semaphore_mem>>) src(%dma_wait3A_117 : memref<200x128xf32, #tpu.memory_space<hbm>>) dst(%arg4 : memref<200x128xf32, #tpu.memory_space<vmem>>)
      %mul3A_118 = arith.constant 200 : i32
      %mul3A_119 = arith.muli %add3A_92, %mul3A_118 : i32
      %add3A_120 = arith.addi %mul3A_2, %mul3A_119 : i32
      %dma_start3A_121 = arith.constant 0 : i32
      %dma_start3A_122 = tpu.memref_slice %arg3[%add3A_120, %dma_start3A_121] : memref<320000x128xf32, #tpu.memory_space<hbm>> -> memref<200x128xf32, #tpu.memory_space<hbm>>
      %dma_start3A_123 = arith.constant 0 : i32
      %dma_start3A_124 = tpu.memref_slice %arg3[%add3A_120, %dma_start3A_123] : memref<320000x128xf32, #tpu.memory_space<hbm>> -> memref<200x128xf32, #tpu.memory_space<hbm>>
      tpu.enqueue_dma source(%arg4 : memref<200x128xf32, #tpu.memory_space<vmem>>) target(%dma_start3A_124 : memref<200x128xf32, #tpu.memory_space<hbm>>) target_semaphore(%arg8 : memref<!tpu.dma_semaphore, #tpu.memory_space<semaphore_mem>>)
    }
    %scan3A_28 = arith.constant 24 : i32
    %add3A_29 = arith.constant 9600 : i32
    %add3A_30 = arith.addi %mul3A_2, %add3A_29 : i32
    %dma_wait3A_31 = arith.constant 0 : i32
    %dma_wait3A_32 = tpu.memref_slice %arg3[%add3A_30, %dma_wait3A_31] : memref<320000x128xf32, #tpu.memory_space<hbm>> -> memref<200x128xf32, #tpu.memory_space<hbm>>
    %dma_wait3A_33 = arith.constant 0 : i32
    %dma_wait3A_34 = tpu.memref_slice %arg3[%add3A_30, %dma_wait3A_33] : memref<320000x128xf32, #tpu.memory_space<hbm>> -> memref<200x128xf32, #tpu.memory_space<hbm>>
    tpu.wait_dma2 semaphore(%arg8 : memref<!tpu.dma_semaphore, #tpu.memory_space<semaphore_mem>>) src(%arg4 : memref<200x128xf32, #tpu.memory_space<vmem>>) dst(%dma_wait3A_34 : memref<200x128xf32, #tpu.memory_space<hbm>>)
    %add3A_35 = arith.constant 9800 : i32
    %add3A_36 = arith.addi %mul3A_2, %add3A_35 : i32
    %dma_wait3A_37 = arith.constant 0 : i32
    %dma_wait3A_38 = tpu.memref_slice %arg2[%add3A_36, %dma_wait3A_37] : memref<320000x128xf32, #tpu.memory_space<hbm>> -> memref<200x128xf32, #tpu.memory_space<hbm>>
    %dma_wait3A_39 = arith.constant 0 : i32
    %dma_wait3A_40 = tpu.memref_slice %arg2[%add3A_36, %dma_wait3A_39] : memref<320000x128xf32, #tpu.memory_space<hbm>> -> memref<200x128xf32, #tpu.memory_space<hbm>>
    tpu.wait_dma2 semaphore(%arg7 : memref<!tpu.dma_semaphore, #tpu.memory_space<semaphore_mem>>) src(%dma_wait3A_40 : memref<200x128xf32, #tpu.memory_space<hbm>>) dst(%arg5 : memref<200x128xf32, #tpu.memory_space<vmem>>)
    %add3A_41 = arith.constant 9800 : i32
    %add3A_42 = arith.addi %mul3A_2, %add3A_41 : i32
    %dma_start3A_43 = arith.constant 0 : i32
    %dma_start3A_44 = tpu.memref_slice %arg3[%add3A_42, %dma_start3A_43] : memref<320000x128xf32, #tpu.memory_space<hbm>> -> memref<200x128xf32, #tpu.memory_space<hbm>>
    %dma_start3A_45 = arith.constant 0 : i32
    %dma_start3A_46 = tpu.memref_slice %arg3[%add3A_42, %dma_start3A_45] : memref<320000x128xf32, #tpu.memory_space<hbm>> -> memref<200x128xf32, #tpu.memory_space<hbm>>
    tpu.enqueue_dma source(%arg5 : memref<200x128xf32, #tpu.memory_space<vmem>>) target(%dma_start3A_46 : memref<200x128xf32, #tpu.memory_space<hbm>>) target_semaphore(%arg9 : memref<!tpu.dma_semaphore, #tpu.memory_space<semaphore_mem>>)
    %add3A_47 = arith.constant 9800 : i32
    %add3A_48 = arith.addi %mul3A_2, %add3A_47 : i32
    %dma_wait3A_49 = arith.constant 0 : i32
    %dma_wait3A_50 = tpu.memref_slice %arg3[%add3A_48, %dma_wait3A_49] : memref<320000x128xf32, #tpu.memory_space<hbm>> -> memref<200x128xf32, #tpu.memory_space<hbm>>
    %dma_wait3A_51 = arith.constant 0 : i32
    %dma_wait3A_52 = tpu.memref_slice %arg3[%add3A_48, %dma_wait3A_51] : memref<320000x128xf32, #tpu.memory_space<hbm>> -> memref<200x128xf32, #tpu.memory_space<hbm>>
    tpu.wait_dma2 semaphore(%arg9 : memref<!tpu.dma_semaphore, #tpu.memory_space<semaphore_mem>>) src(%arg5 : memref<200x128xf32, #tpu.memory_space<vmem>>) dst(%dma_wait3A_52 : memref<200x128xf32, #tpu.memory_space<hbm>>)
    return
  }
}

</mosaic_0001>

<sc_bundles>
// kernel: kernel.3.cloned.1.call-start
scs
__scs_entry_jumppad:
0x0: {  	(pc) =	sbr.rel $0x88, $3  }
0x1: {  	(tag) =	ssettag $0x0;
	lr =	simm.s32 $0x1  }
0x2: {  	[smem:$0x3FA0] =	sst lr;
	_ =	strace $0xD0000000  }
0x3: {  	_ = 	snop  }
0x4: {  	_ = 	snop  }
0x5: {  	_ = 	snop  }
0x6: {  	_ = 	snop  }
0x7: {  	_ = 	snop  }
__scs_overlays_trampoline_lowered:
0x8: {  	[smem:$0x3FAF] =	sst s0  }
0x9: {  	[smem:$0x3FB0] =	sst s1  }
0xa: {  	[smem:$0x3FB1] =	sst s2  }
0xb: {  	[smem:$0x3FB2] =	sst s3  }
0xc: {  	[smem:$0x3FB3] =	sst s4  }
0xd: {  	[smem:$0x3FB4] =	sst s5  }
0xe: {  	[smem:$0x3FB5] =	sst s6  }
0xf: {  	[smem:$0x3FB6] =	sst s7  }
0x10: {  	[smem:$0x3FB7] =	sst s8  }
0x11: {  	[smem:$0x3FB8] =	sst s9;
	s0 =	simm.s32 @!p0 $0x0  }
0x12: {  	s1 =	sld [smem:$0x3F9E];
	s0 =	simm.s32 @p0 $0x1  }
0x13: {  	[smem:$0x3FB9] =	sst s0;
	s0 =	simm.s32 @!p1 $0x0  }
0x14: {  	s2 =	sld [smem:$0x3F9D];
	s0 =	simm.s32 @p1 $0x1  }
0x15: {  	[smem:$0x3FBA] =	sst s0;
	s0 =	simm.s32 @!p2 $0x0  }
0x16: {  	s3 =	sld [smem:$0x3FDB];
	s0 =	simm.s32 @p2 $0x1  }
0x17: {  	s4 =	simm.s32 $0x1BF5;
	[smem:$0x3FBC] =	sst s0  }
0x18: {  	s0 =	sld [smem:$0x3F9F];
	_ =	swait.ge [sflag:s4], $0x0  }
0x19: {  	s7 =	sld [smem:$0x3FA0]  }
0x1a: {  	s8 =	sadd.s32 $0xFFFFE003, lr  }
0x1b: {  	s9 =	sadd.s32 $0xFFFFFEF7, lr;
	s5 =	simm.s32 $0xFFFFFFFF;
	p2 =	slt.u32 s8, $0xFFFFF086  }
0x1c: {  	p1 =	slt.u32 s9, $0xF7A;
	s5 =	simm.s32 @!p2 $0x0  }
0x1d: {  	s5 =	simm.s32 @p1 $0x1;
	p0 =	seq.s32 s7, s2  }
0x1e: {  	s7 =	smul.u32 @!p0 $0xF7A, s2;
	p2 =	seq.s32 @!p0 s5, $0x0  }
0x1f: {  	s9 =	smul.u32 $0xF7A, s1;
	s8 =	simm.s32 @!p0 $0x1BF5;
	p2 =	por !p2, p0  }
0x20: {  	[sflag:s8] =	ssyncset.s32 @!p0 $0xFFFFF086;
	s6 =	sadd.s32 @!p0 s3, s7;
	s7 =	simm.s32 @!p0 $0x108  }
0x21: {  	s3 =	sadd.s32 s3, s9;
	s6 =	sadd.s32 @!p0 $0x88, s6;
	s7 =	simm.s32 @p2 $0x1082  }
0x22: {  	[simem:s7], [sflag:s8] =	dma.local @!p0 [hbm:s6], $0xF7A  }
0x23: {  	s9 =	sor.u32 $0xD0000000, s2;
	s6 =	simm.s32 $0x108;
	_ =	swait.ge @!p0 [sflag:s8], $0x0  }
0x24: {  	s3 =	sadd.s32 $0x88, s3;
	s6 =	simm.s32 @!p1 $0x1082;
	[sflag:s4] =	ssyncset.s32 $0xFFFFF086  }
0x25: {  	[simem:s6], [sflag:s4] =	dma.local [hbm:s3], $0xF7A  }
0x26: {  	[smem:$0x3FA0] =	sst s1;
	(tag) =	ssettag s2;
	_ =	strace s9  }
0x27: {  	s1 =	sld [smem:$0x3FB0]  }
0x28: {  	s2 =	sld [smem:$0x3FB1]  }
0x29: {  	s4 =	sld [smem:$0x3FB3]  }
0x2a: {  	p0 =	seq.s32 s5, $0x0;
	s5 =	sld [smem:$0x3FB4]  }
0x2b: {  	s6 =	sld [smem:$0x3FB5]  }
0x2c: {  	s7 =	sld [smem:$0x3FB6]  }
0x2d: {  	s3 =	simm.s32 $0x108;
	s8 =	sld [smem:$0x3FB7]  }
0x2e: {  	s3 =	simm.s32 @!p0 $0x1082;
	s9 =	sld [smem:$0x3FB8]  }
0x2f: {  	lr =	sadd.s32 s0, s3;
	s0 =	sld [smem:$0x3FAF]  }
0x30: {  	s3 =	sld [smem:$0x3FB2]  }
0x31: {  	[smem:$0x3FBB] =	sst s10  }
0x32: {  	s10 =	sld [smem:$0x3FB9];
	_ =	sdelay $0x3  }
0x33: {  	p0 =	seq.s32 s10, $0x1;
	s10 =	sld [smem:$0x3FBB];
	_ =	sdelay $0x3  }
0x34: {  	[smem:$0x3FBB] =	sst s10  }
0x35: {  	s10 =	sld [smem:$0x3FBA];
	_ =	sdelay $0x3  }
0x36: {  	p1 =	seq.s32 s10, $0x1;
	s10 =	sld [smem:$0x3FBB];
	_ =	sdelay $0x3  }
0x37: {  	[smem:$0x3FBB] =	sst s10  }
0x38: {  	s10 =	sld [smem:$0x3FBC]  }
0x39: {  	_ = 	snop;
	(pc) =	sbr.ind lr, $3  }
0x3a: {  	_ = 	snop  }
0x3b: {  	_ = 	snop  }
0x3c: {  	p2 =	seq.s32 s10, $0x1;
	s10 =	sld [smem:$0x3FBB]  }
0x3d: {  	_ =	shalt  }
0x3e: {  	_ =	shalt  }
0x3f: {  	_ =	shalt  }
0x40: {  	_ =	shalt  }
0x41: {  	_ =	shalt  }
0x42: {  	_ =	shalt  }
0x43: {  	_ =	shalt  }
0x44: {  	_ =	shalt  }
0x45: {  	_ =	shalt  }
0x46: {  	_ =	shalt  }
0x47: {  	_ =	shalt  }
0x48: {  	_ =	shalt  }
0x49: {  	_ =	shalt  }
0x4a: {  	_ =	shalt  }
0x4b: {  	_ =	shalt  }
0x4c: {  	_ =	shalt  }
0x4d: {  	_ =	shalt  }
0x4e: {  	_ =	shalt  }
0x4f: {  	_ =	shalt  }
0x50: {  	_ =	shalt  }
0x51: {  	_ =	shalt  }
0x52: {  	_ =	shalt  }
0x53: {  	_ =	shalt  }
0x54: {  	_ =	shalt  }
0x55: {  	_ =	shalt  }
0x56: {  	_ =	shalt  }
0x57: {  	_ =	shalt  }
0x58: {  	_ =	shalt  }
0x59: {  	_ =	shalt  }
0x5a: {  	_ =	shalt  }
0x5b: {  	_ =	shalt  }
0x5c: {  	_ =	shalt  }
0x5d: {  	_ =	shalt  }
0x5e: {  	_ =	shalt  }
0x5f: {  	_ =	shalt  }
0x60: {  	_ =	shalt  }
0x61: {  	_ =	shalt  }
0x62: {  	_ =	shalt  }
0x63: {  	_ =	shalt  }
0x64: {  	_ =	shalt  }
0x65: {  	_ =	shalt  }
0x66: {  	_ =	shalt  }
0x67: {  	_ =	shalt  }
0x68: {  	_ =	shalt  }
0x69: {  	_ =	shalt  }
0x6a: {  	_ =	shalt  }
0x6b: {  	_ =	shalt  }
0x6c: {  	_ =	shalt  }
0x6d: {  	_ =	shalt  }
0x6e: {  	_ =	shalt  }
0x6f: {  	_ =	shalt  }
0x70: {  	_ =	shalt  }
0x71: {  	_ =	shalt  }
0x72: {  	_ =	shalt  }
0x73: {  	_ =	shalt  }
0x74: {  	_ =	shalt  }
0x75: {  	_ =	shalt  }
0x76: {  	_ =	shalt  }
0x77: {  	_ =	shalt  }
0x78: {  	_ =	shalt  }
0x79: {  	_ =	shalt  }
0x7a: {  	_ =	shalt  }
0x7b: {  	_ =	shalt  }
0x7c: {  	_ =	shalt  }
0x7d: {  	_ =	shalt  }
0x7e: {  	_ =	shalt  }
0x7f: {  	_ =	shalt  }
0x80: {  	_ =	shalt  }
0x81: {  	_ =	shalt  }
0x82: {  	_ =	shalt  }
0x83: {  	_ =	shalt  }
0x84: {  	_ =	shalt  }
0x85: {  	_ =	shalt  }
0x86: {  	_ =	shalt  }
0x87: {  	_ =	shalt  }
.Lfunc_end0:
.L_simem_size_0:
called_computation_lowered:
.L_overlay_start_0:
0x88: {  	s2 =	sld [smem:$0x3FD9]  }
0x89: {  	s3 =	sld [smem:$0x3FFE];
	_ =	sdelay $0x1  }
0x8a: {  	s1 =	srdreg.scid  }
0x8b: {  	s0 =	sand.u32 $0x1, s1  }
0x8c: {  	s18 =	sshll.u32 s0, $0xA;
	s2 =	sadd.s32 s3, s2  }
0x8d: {  	s2 =	sadd.s32 s2, s18  }
0x8e: {  	[smem:$0x3FC7] =	sst s2  }
0x8f: {  	_ = 	snop  }
0x90: {  	s2 =	sld [smem:$0x3FC9]  }
0x91: {  	s19 =	sld [smem:$0x3FD0];
	(tm) =	ssettm $0x1  }
0x92: {  	s4 =	sld [smem:$0x3FFB];
	_ =	sdelay $0x3  }
0x93: {  	_ =	strace s4  }
0x94: {  	s4 =	sld [smem:$0x3FFC];
	_ =	sdelay $0x3  }
0x95: {  	_ =	strace s4  }
0x96: {  	s4 =	sld [smem:$0x3FFD];
	_ =	sdelay $0x3  }
0x97: {  	_ =	strace s4  }
0x98: {  	_ =	strace $0x8FFFFFFF  }
0x99: {  	s20 =	sld [smem:$0x3FDB];
	_ =	sdelay $0x1  }
0x9a: {  	s5 =	simm.s32 $_scs_section_size  }
0x9b: {  	s6 =	simm.s32 $_size__tile_overlayer_lowered;
	s7 =	simm.s32 $_tile_overlayer_lowered  }
0x9c: {  	s23 =	simm.s32 $0x1BFF;
	s22 =	sshll.u32 s7, $0x1;
	s4 =	sadd.s32 s5, s20  }
0x9d: {  	s8 =	simm.s32 $0x0;
	s21 =	sshll.u32 s6, $0x1;
	s6 =	sadd.s32 s22, s4  }
0x9e: {  	[timem:s8], [sflag:s23] =	dma.local [hbm:s6], s21  }
0x9f: {  	_ =	swait.ge [sflag:s23], s21  }
0xa0: {  	s5 =	ssub.s32 $0x0, s21;
	[sflag:s23] =	ssyncset.done $0x0  }
0xa1: {  	[sflag:s23] =	ssyncadd.s32 s5;
	_ =	sdelay $0x1  }
0xa2: {  	s24 =	simm.s32 $0x1B8B  }
0xa3: {  	_ =	swait.ge [sflag:s24], $0x1  }
0xa4: {  	[sflag:s24] =	ssyncset.done $0x0  }
0xa5: {  	s25 =	simm.s32 $0x1B8E;
	[sflag:s24] =	ssyncadd.s32 $0xFFFFFFFF  }
0xa6: {  	s26 =	simm.s32 $execute0_lowered;
	[smem:$0x3FD2] =	sst s25  }
0xa7: {  	s5 =	sshll.u32 s26, $0x1;
	_ =	strace $0x80000046;
	[dreg:$0x1] =	wrdreg $0xFFFFFFFF  }
0xa8: {  	s28 =	simm.s32 $_size_execute0_lowered;
	s4 =	sadd.s32 s4, s5;
	[dreg:$0x0] =	wrdreg $0x0  }
0xa9: {  	s5 =	sshll.u32 s28, $0x1;
	[dreg:$0x2] =	wrdreg s4  }
0xaa: {  	[dreg:$0x3] =	wrdreg s5  }
0xab: {  	[dreg:$0x4] =	wrdreg $0xC0  }
0xac: {  	_ =	task [dreg:s8], $0x5FFFF  }
0xad: {  	[dreg:$0x1] =	wrdreg $0xFFFFFFFF  }
0xae: {  	[dreg:$0x0] =	wrdreg $0x60  }
0xaf: {  	[dreg:$0x2] =	wrdreg s2  }
0xb0: {  	[dreg:$0x3] =	wrdreg s19  }
0xb1: {  	[dreg:$0x4] =	wrdreg $0x9  }
0xb2: {  	_ =	task.clear_ibuf [dreg:s8], $0x5FFFF;
	_ =	strace $0x90000046  }
0xb3: {  	s29 =	simm.s32 $0x9;
	_ =	strace $0x80000048  }
0xb4: {  	_ =	swait.ge [sflag:s29], $0x1  }
0xb5: {  	[sflag:s29] =	ssyncadd.s32 $0xFFFFFFFF  }
0xb6: {  	_ =	strace $0x90000048  }
0xb7: {  	_ =	sfence  }
0xb8: {  	s30 =	sld [smem:$0x0];
	_ =	sdelay $0x2  }
0xb9: {  	s31 =	sshll.u32 s1, $0xD;
	s1 =	sshrl.u32 s1, $0x2  }
0xba: {  	s3 =	sand.u32 $0x4000, s31;
	s1 =	sadd.s32 s1, s30  }
0xbb: {  	s0 =	sor.u32 s3, s0;
	s1 =	sshll.u32 s1, $0x11  }
0xbc: {  	s0 =	sor.u32 s1, s0  }
0xbd: {  	s0 =	sadd.s32 $0x8F2B, s0  }
0xbe: {  	[sflag:s0] =	ssyncadd.remote.s32 $0x1  }
0xbf: {  	_ =	sfence.sel $0xFFFF  }
0xc0: {  	[dreg:$0x0] =	wrdreg $0xFFFFFFFF;
	(pc) =	sbr.abs _section_cstart, $3  }
0xc1: {  	[dreg:$0x1] =	wrdreg $0xFFFFFFFF  }
0xc2: {  	_ =	task.clear_ibuf [dreg:s8], $0x2FFFF;
	_ =	strace $0x9FFFFFFF  }
0xc3: {  	(tm) =	ssettm $0x7FFFFFFF  }
tec
execute0_lowered:
.L_overlay_start_1:
0x0: {  	(tag) =	ssettag $0x1  }
0x1: {  	s1 =	srdreg.scid  }
0x2: {  	s0 =	stileid.u32;
	s7 =	rddreg [dreg:$0x0]  }
0x3: {  	s8 =	rddreg [dreg:$0x1];
	s2 =	simm.s32 $0x0;
	s13 =	simm.s32 $0x2  }
0x4: {  	s14 =	simm.s32 $0x4;
	s15 =	simm.s32 $0x0;
	s6 =	sand.u32 $0x1, s1  }
0x5: {  	s28 =	sshll.u32 s0, $0x1;
	s1 =	rddreg [dreg:$0x2];
	s12 =	smul.u32 $0x4E200, s0  }
0x6: {  	[smem:$0x7FF] =	sst s2;
	s3 =	sor.u32 s6, s28;
	s30 =	smul.u32 $0x27100, s6  }
0x7: {  	s5 =	ssub.s32 $0x2, s6;
	_ =	strace $0x80000047;
	s4 =	smul.u32 $0x138800, s3  }
0x8: {  	s9 =	sshrl.u32 s5, $0x1;
	s10 =	smul.u32 $0x27100, s3;
	s31 =	sadd.s32 s12, s7  }
0x9: {  	s12 =	sadd.s32 s12, s8;
	s9 =	ssub.s32 s5, s9;
	s11 =	sshrl.u32 s4, $0x3  }
0xa: {  	s3 =	sadd.s32 s7, s10;
	s5 =	sadd.s32 s8, s10;
	s10 =	simm.s32 $0x6400  }
0xb: {  	s4 =	sadd.s32 s7, s11;
	s29 =	sadd.s32 s8, s11;
	s7 =	smax.u32 s9, $0x1  }
0xc: {  	s8 =	sadd.s32 s30, s31;
	s9 =	sadd.s32 s30, s12;
	s11 =	simm.s32 $0x1  }
0xd: {  	s12 =	simm.s32 $0x3;
	s4 =	sadd.s32 $0xC80, s4;
	s6 =	sadd.s32 $0x26480, s29  }
.LBB2_1:
0xe: {  	[tilespmem:s2], [sflag:$0x1] =	stream.linear.gather [hbm4b:s3+s2], $0x6400, $0x38;
	[tilespmem:$0xC800] =	vst v63  }
0xf: {  	_ = 	snop  }
0x10: {  	[tilespmem:s10], [sflag:$0x2] =	stream.linear.gather [hbm4b:s4+s2], $0x6400, $0x38;
	[tilespmem:$0xC800] =	vst v63  }
0x11: {  	_ =	swait.ge [sflag:s11], $0x6400  }
0x12: {  	[sflag:s11] =	ssyncset.done $0x0  }
0x13: {  	[sflag:s11] =	ssyncadd.s32 $0xFFFF9C00  }
0x14: {  	[hbm4b:s5+s2] =	stream.linear.scatter [tilespmem:s2], [sflag:$0x3], $0x6400, $0x38;
	[tilespmem:$0xC800] =	vst v63  }
0x15: {  	_ =	swait.ge [sflag:s12], $0x6400  }
0x16: {  	s16 =	sadd.s32 $0x0, s8;
	[sflag:s12] =	ssyncset.done $0x0  }
0x17: {  	s17 =	sadd.s32 $0x1900, s16;
	[sflag:s12] =	ssyncadd.s32 $0xFFFF9C00  }
0x18: {  	[tilespmem:s2], [sflag:$0x1] =	stream.linear.gather [hbm4b:s17+s2], $0x6400, $0x38;
	[tilespmem:$0xC800] =	vst v63  }
0x19: {  	_ =	swait.ge [sflag:s13], $0x6400  }
0x1a: {  	s31 =	sadd.s32 $0x0, s9;
	[sflag:s13] =	ssyncset.done $0x0  }
0x1b: {  	s18 =	sadd.s32 $0xC80, s31;
	[sflag:s13] =	ssyncadd.s32 $0xFFFF9C00  }
0x1c: {  	[hbm4b:s18+s2] =	stream.linear.scatter [tilespmem:s10], [sflag:$0x4], $0x6400, $0x38;
	[tilespmem:$0xC800] =	vst v63  }
0x1d: {  	_ =	swait.ge [sflag:s14], $0x6400  }
0x1e: {  	[sflag:s14] =	ssyncset.done $0x0  }
0x1f: {  	s16 =	sadd.s32 $0x2580, s16;
	[sflag:s14] =	ssyncadd.s32 $0xFFFF9C00  }
0x20: {  	[tilespmem:s10], [sflag:$0x2] =	stream.linear.gather [hbm4b:s16+s2], $0x6400, $0x38;
	[tilespmem:$0xC800] =	vst v63  }
0x21: {  	_ =	swait.ge [sflag:s11], $0x6400  }
0x22: {  	[sflag:s11] =	ssyncset.done $0x0  }
0x23: {  	s17 =	sadd.s32 $0x1900, s31;
	s16 =	simm.s32 $0x1900;
	[sflag:s11] =	ssyncadd.s32 $0xFFFF9C00  }
.LBB2_2:
0x24: {  	[hbm4b:s17+s2] =	stream.linear.scatter [tilespmem:s2], [sflag:$0x3], $0x6400, $0x38;
	[tilespmem:$0xC800] =	vst v63  }
0x25: {  	s17 =	smov.u32 s16  }
0x26: {  	p0 =	sne.s32 s16, $0x23F00;
	s16 =	sadd.s32 $0x1900, s16;
	_ =	swait.ge [sflag:s12], $0x6400  }
0x27: {  	s18 =	sadd.s32 s17, s8;
	[sflag:s12] =	ssyncset.done $0x0  }
0x28: {  	s19 =	sadd.s32 $0x1900, s18;
	[sflag:s12] =	ssyncadd.s32 $0xFFFF9C00  }
0x29: {  	[tilespmem:s2], [sflag:$0x1] =	stream.linear.gather [hbm4b:s19+s2], $0x6400, $0x38;
	[tilespmem:$0xC800] =	vst v63  }
0x2a: {  	_ =	swait.ge [sflag:s13], $0x6400  }
0x2b: {  	s17 =	sadd.s32 s17, s9;
	[sflag:s13] =	ssyncset.done $0x0  }
0x2c: {  	s19 =	sadd.s32 $0xC80, s17;
	[sflag:s13] =	ssyncadd.s32 $0xFFFF9C00  }
0x2d: {  	[hbm4b:s19+s2] =	stream.linear.scatter [tilespmem:s10], [sflag:$0x4], $0x6400, $0x38;
	[tilespmem:$0xC800] =	vst v63  }
0x2e: {  	_ =	swait.ge [sflag:s14], $0x6400  }
0x2f: {  	[sflag:s14] =	ssyncset.done $0x0  }
.Ltmp0:
0x30: {  	s18 =	sadd.s32 $0x2580, s18;
	[sflag:s14] =	ssyncadd.s32 $0xFFFF9C00;
	(pc) =	sbr.rel @p0 .LBB2_2-.Ltmp0, $4  }
0x31: {  	[tilespmem:s10], [sflag:$0x2] =	stream.linear.gather [hbm4b:s18+s2], $0x6400, $0x38;
	[tilespmem:$0xC800] =	vst v63  }
0x32: {  	_ =	swait.ge [sflag:s11], $0x6400  }
0x33: {  	[sflag:s11] =	ssyncset.done $0x0  }
0x34: {  	s17 =	sadd.s32 $0x1900, s17;
	[sflag:s11] =	ssyncadd.s32 $0xFFFF9C00  }
0x35: {  	[hbm4b:s17+s2] =	stream.linear.scatter [tilespmem:s2], [sflag:$0x3], $0x6400, $0x38;
	[tilespmem:$0xC800] =	vst v63  }
0x36: {  	_ =	swait.ge [sflag:s12], $0x6400  }
0x37: {  	[sflag:s12] =	ssyncset.done $0x0  }
0x38: {  	[sflag:s12] =	ssyncadd.s32 $0xFFFF9C00  }
0x39: {  	s15 =	sadd.s32 $0x1, s15;
	_ =	swait.ge [sflag:s13], $0x6400  }
0x3a: {  	p0 =	sne.s32 s15, s7;
	[sflag:s13] =	ssyncset.done $0x0  }
.Ltmp1:
0x3b: {  	[sflag:s13] =	ssyncadd.s32 $0xFFFF9C00;
	(pc) =	sbr.rel @p0 .LBB2_1-.Ltmp1, $4  }
0x3c: {  	[hbm4b:s6+s2] =	stream.linear.scatter [tilespmem:s10], [sflag:$0x4], $0x6400, $0x38;
	[tilespmem:$0xC800] =	vst v63  }
0x3d: {  	_ =	swait.ge [sflag:s14], $0x6400  }
0x3e: {  	[sflag:s14] =	ssyncset.done $0x0  }
0x3f: {  	[sflag:s14] =	ssyncadd.s32 $0xFFFF9C00  }
0x40: {  	_ =	sfence.sel $0x180000  }
0x41: {  	[bflag:$0x0] =	sbarrier.arrive $0xFFFF  }
0x42: {  	p0 =	sne.s32 s0, $0x0;
	_ =	strace $0x90000047  }
0x43: {  	s0 =	sadd.s32 @!p0 $0x100000, s1;
	[bflag:$0x2] =	sbarrier.arrive $0xFFFF  }
0x44: {  	[sflag:s0] =	ssyncadd.tile.s32 @!p0 $0x1;
	_ =	shalt  }
.Lfunc_end2:
_tile_overlayer_lowered:
.L_overlay_start_2:
0x45: {  	(tag) =	ssettag $0x2  }
0x46: {  	s0 =	rddreg [dreg:$0x0];
	s2 =	stileid.u32  }
0x47: {  	s1 =	rddreg [dreg:$0x1];
	p0 =	sne.s32 s2, $0x0  }
0x48: {  	s3 =	rddreg [dreg:$0x2];
	[bflag:$0x3] =	sbarrier.arrive $0xFFFF;
	s2 =	simm.s32 @!p0 $0x1C05  }
0x49: {  	[timem:s3], [sflag:s2] =	dma.local @!p0 [hbm:s0], s1  }
0x4a: {  	s0 =	simm.s32 @!p0 $0x5  }
0x4b: {  	_ =	swait.ge @!p0 [sflag:s0], s1  }
0x4c: {  	s1 =	ssub.s32 @!p0 $0x0, s1;
	[sflag:s0] =	ssyncset.done @!p0 $0x0  }
0x4d: {  	[sflag:s0] =	ssyncadd.s32 @!p0 s1  }
0x4e: {  	[bflag:$0x3] =	sbarrier.arrive $0xFFFF  }
0x4f: {  	_ =	shalt  }

</sc_bundles>
